<compile_context>
chip_gen: v7x
topology: tpu7x:2x2x1
jax: 0.10.2.dev20260603
libtpu: 0.0.44.dev20260713+nightly
codegen_flags: <defaults>
</compile_context>

<pallas_src>
import jax
import jax.numpy as jnp
from jax import lax
from jax.experimental import pallas as pl
from jax.experimental.pallas import tpu as pltpu

_LANES = 128
_SCHUNK = 128
_MCHUNK = 512
_INF_KEY = 0x7F800000


def _bits(x):
    return lax.bitcast_convert_type(x, jnp.int32)


def _flt(k):
    return lax.bitcast_convert_type(k, jnp.float32)


def _body(tgt_ref, par_ref, x_ref, o_ref):
    rows = x_ref.shape[1]
    nsc = rows // _SCHUNK
    nmc = rows // _MCHUNK
    tgt1 = tgt_ref[0].astype(jnp.float32)
    tgt2 = tgt_ref[1].astype(jnp.float32)
    frac = par_ref[0]
    override = par_ref[1]
    nf = jnp.float32(rows * _LANES)

    def _psum8(c):
        parts = [c[i * 8:(i + 1) * 8, :] for i in range(_SCHUNK // 8)]
        while len(parts) > 1:
            parts = [a + b for a, b in zip(parts[::2], parts[1::2])]
        return parts[0]

    def count2(ta, tb):
        def chunk(j, accs):
            aa, ab = accs
            xc = x_ref[0, pl.ds(j * _SCHUNK, _SCHUNK), :]
            return (aa + _psum8((xc <= ta).astype(jnp.float32)),
                    ab + _psum8((xc <= tb).astype(jnp.float32)))
        z = jnp.zeros((8, _LANES), jnp.float32)
        aa, ab = lax.fori_loop(0, nsc, chunk, (z, z))
        return jnp.sum(aa), jnp.sum(ab)

    def count1(ta):
        def chunk(j, aa):
            xc = x_ref[0, pl.ds(j * _SCHUNK, _SCHUNK), :]
            return aa + _psum8((xc <= ta).astype(jnp.float32))
        aa = lax.fori_loop(0, nsc, chunk, jnp.zeros((8, _LANES), jnp.float32))
        return jnp.sum(aa)

    def narrow(carry, pa, pb, ca, cb):
        tlo, thi, clo, chi = carry
        in_a = ca >= tgt1
        in_b = cb >= tgt1
        ntlo = jnp.where(in_a, tlo, jnp.where(in_b, pa, pb))
        nclo = jnp.where(in_a, clo, jnp.where(in_b, ca, cb))
        nthi = jnp.where(in_a, pa, jnp.where(in_b, pb, thi))
        nchi = jnp.where(in_a, ca, jnp.where(in_b, cb, chi))
        return ntlo, nthi, nclo, nchi

    p_est = tgt1 / nf
    delta = jnp.float32(6.0) * jnp.sqrt(
        jnp.maximum(p_est * (1.0 - p_est), 1e-8) / nf)
    pa0 = jnp.clip(_bits(jnp.maximum(p_est - delta, 0.0)),
                   0, _INF_KEY - 1)
    pb0 = jnp.clip(_bits(p_est + delta), pa0, _INF_KEY - 1)
    ca0, cb0 = count2(_flt(pa0), _flt(pb0))
    carry0 = narrow((jnp.int32(-1), jnp.int32(_INF_KEY),
                     jnp.float32(0.0), nf), pa0, pb0, ca0, cb0)
    carry = (carry0[0], carry0[1], carry0[2], carry0[3], jnp.int32(0))

    def pinned(clo, chi):
        return jnp.logical_and(clo == tgt1 - 1.0, chi == tgt1)

    def cond(carry):
        tlo, thi, clo, chi, _ = carry
        return jnp.logical_and(thi - tlo > 1,
                               jnp.logical_not(pinned(clo, chi)))

    def step(carry):
        tlo, thi, clo, chi, it = carry
        tlo_f = _flt(jnp.maximum(tlo, 0))
        thi_f = _flt(thi)
        r = (tgt1 - clo) / (chi - clo)
        pf = tlo_f + (thi_f - tlo_f) * r
        pm = tlo + (thi - tlo) // 2
        pk = jnp.where(thi < _INF_KEY,
                       jnp.clip(_bits(pf), tlo + 1, thi - 1), pm)
        pk = jnp.where(it % 3 == 2, pm, pk)
        c = count1(_flt(pk))
        tlo4, thi4, clo4, chi4 = narrow(
            (tlo, thi, clo, chi), pk, pk, c, c)
        return (tlo4, thi4, clo4, chi4, it + 1)

    tlo, thi, clo, chi, _ = lax.while_loop(cond, step, carry)

    strict = jnp.logical_and(frac > 0.0, chi < tgt2)
    thr_key = jnp.where(pinned(clo, chi),
                        jnp.where(frac > 0.0, thi + 1, tlo + 1),
                        thi + strict.astype(jnp.int32))
    thr = _flt(thr_key)
    thr = jnp.where(override > 0.0, jnp.float32(jnp.inf), thr)

    def mask_chunk(j, _):
        xc = x_ref[0, pl.ds(j * _MCHUNK, _MCHUNK), :]
        o_ref[0, pl.ds(j * _MCHUNK, _MCHUNK), :] = (
            xc >= thr).astype(jnp.float32)
        return 0
    lax.fori_loop(0, nmc, mask_chunk, 0)


def kernel(scale, pr):
    bs, ch, w, h = scale.shape
    n = ch * w * h
    rows = n // _LANES
    x = scale.reshape(bs, rows, _LANES)

    pr_i = jnp.asarray(pr, jnp.int32)
    prf = jnp.minimum(pr_i, 10) * jnp.float32(0.1)
    pr_bis = jnp.float32(1.0) - prf
    idx = pr_bis * jnp.float32(n - 1)
    low = jnp.floor(idx)
    frac = idx - low
    k = low.astype(jnp.int32)
    targets = jnp.stack([k + 1, k + 2])
    override = jnp.where(pr_i == 0, jnp.float32(jnp.inf), jnp.float32(-1.0))
    params = jnp.stack([frac, override])

    out = pl.pallas_call(
        _body,
        grid=(bs,),
        in_specs=[
            pl.BlockSpec(memory_space=pltpu.SMEM),
            pl.BlockSpec(memory_space=pltpu.SMEM),
            pl.BlockSpec((1, rows, _LANES), lambda i: (i, 0, 0)),
        ],
        out_specs=pl.BlockSpec((1, rows, _LANES), lambda i: (i, 0, 0)),
        out_shape=jax.ShapeDtypeStruct((bs, rows, _LANES), jnp.float32),
        compiler_params=pltpu.CompilerParams(
            dimension_semantics=("arbitrary",)),
    )(targets, params, x)
    return out.reshape(bs, ch, w, h)

# --- scband reference (transcript-rebuilt; emitter-appended) ---
"""Pipeline reference for scband-channel-mask-22024592294327 (READ-ONLY COPY).

The authoritative reference and input builder live on the scoring server;
editing this copy changes nothing except your own understanding.
"""

import jax, jax.numpy as jnp
import numpy as np


def setup_inputs(seed: int = 0) -> dict:
    key = jax.random.key(seed)
    scale = jax.random.uniform(key, (16, 384, 64, 64), dtype=jnp.float32)
    return {"scale": scale, "pr": 5}


def reference(scale, pr):
    # Faithful translation of ChannelMask.forward with mask_pol='point-based-std',
    # ravel=False, cust_map=None.
    bs, ch, w, h = scale.shape
    prf = jnp.minimum(pr, 10) * 0.1
    pr_bis = 1.0 - prf
    # per-batch quantile over the raveled (ch, w, h) block, then threshold mask
    flat = scale.reshape(bs, -1)
    q = jnp.quantile(flat, pr_bis, axis=1)  # linear interpolation, matches torch.quantile
    res = (flat >= q[:, None]).astype(jnp.float32)
    res = res.reshape(bs, ch, w, h)
    res = jnp.where(pr == 0, jnp.zeros_like(scale), res)
    res = jnp.where(pr >= 10, jnp.ones_like(scale), res)
    return res

if __name__ == "__main__":
    import jax
    _d = setup_inputs()
    print(jax.jit(kernel)(*tuple(_d.values())))

</pallas_src>

<mosaic_0001>
module attributes {stable_mosaic.version = 14 : i64} {
  func.func @_body(%arg0: i32, %arg1: memref<2xi32, #tpu.memory_space<smem>>, %arg2: memref<2xf32, #tpu.memory_space<smem>>, %arg3: memref<1x12288x128xf32, #tpu.memory_space<vmem>>, %arg4: memref<1x12288x128xf32, #tpu.memory_space<vmem>>) attributes {dimension_semantics = [#tpu.dimension_semantics<arbitrary>], iteration_bounds = array<i64: 16>, scalar_prefetch = 0 : i64, scratch_operands = 0 : i64, tpu.core_type = #tpu.core_type<tc>, window_params = [{transform_indices = @transform_0, window_bounds = array<i64: 2>}, {transform_indices = @transform_1, window_bounds = array<i64: 2>}, {transform_indices = @transform_2, window_bounds = array<i64: 1, 12288, 128>}, {transform_indices = @transform_3, window_bounds = array<i64: 1, 12288, 128>}]} {
    %get3A = arith.constant 0 : index
    %get3A_0 = memref.load %arg1[%get3A] : memref<2xi32, #tpu.memory_space<smem>>
    %convert_element_type3A = arith.sitofp %get3A_0 : i32 to f32
    %get3A_1 = arith.constant 1 : index
    %get3A_2 = memref.load %arg1[%get3A_1] : memref<2xi32, #tpu.memory_space<smem>>
    %convert_element_type3A_3 = arith.sitofp %get3A_2 : i32 to f32
    %get3A_4 = arith.constant 0 : index
    %get3A_5 = memref.load %arg2[%get3A_4] : memref<2xf32, #tpu.memory_space<smem>>
    %get3A_6 = arith.constant 1 : index
    %get3A_7 = memref.load %arg2[%get3A_6] : memref<2xf32, #tpu.memory_space<smem>>
    %div3A = arith.constant 0x49C00000 : f32
    %div3A_8 = arith.divf %convert_element_type3A, %div3A : f32
    %sub3A = arith.constant 1.000000e+00 : f32
    %sub3A_9 = arith.subf %sub3A, %div3A_8 : f32
    %mul3A = arith.mulf %div3A_8, %sub3A_9 : f32
    %max3A = arith.constant 9.99999993E-9 : f32
    %max3A_10 = arith.maximumf %mul3A, %max3A : f32
    %div3A_11 = arith.constant 0x49C00000 : f32
    %div3A_12 = arith.divf %max3A_10, %div3A_11 : f32
    %sqrt3A = math.sqrt %div3A_12 : f32
    %mul3A_13 = arith.constant 6.000000e+00 : f32
    %mul3A_14 = arith.mulf %mul3A_13, %sqrt3A : f32
    %sub3A_15 = arith.subf %div3A_8, %mul3A_14 : f32
    %max3A_16 = arith.constant 0.000000e+00 : f32
    %max3A_17 = arith.maximumf %sub3A_15, %max3A_16 : f32
    %bitcast_convert_type3A = arith.bitcast %max3A_17 : f32 to i32
    %jit3A = arith.constant 0 : i32
    %jit3A_18 = arith.constant 2139095039 : i32
    %max3A_19 = arith.maxsi %jit3A, %bitcast_convert_type3A : i32
    %min3A = arith.minsi %jit3A_18, %max3A_19 : i32
    %add3A = arith.addf %div3A_8, %mul3A_14 : f32
    %bitcast_convert_type3A_20 = arith.bitcast %add3A : f32 to i32
    %jit3A_21 = arith.constant 2139095039 : i32
    %max3A_22 = arith.maxsi %min3A, %bitcast_convert_type3A_20 : i32
    %min3A_23 = arith.minsi %jit3A_21, %max3A_22 : i32
    %bitcast_convert_type3A_24 = arith.bitcast %min3A : i32 to f32
    %bitcast_convert_type3A_25 = arith.bitcast %min3A_23 : i32 to f32
    %broadcast_in_dim3A = arith.constant 0.000000e+00 : f32
    %broadcast_in_dim3A_26 = vector.broadcast %broadcast_in_dim3A : f32 to vector<8x128xf32>
    %scan3A = arith.constant 0 : i32
    %scan3A_27 = arith.constant 96 : i32
    %scan3A_28 = arith.addi %scan3A, %scan3A_27 : i32
    %scan3A_29 = arith.constant 1 : i32
    %scan3A_30:2 = scf.for %scan3A_79 = %scan3A to %scan3A_28 step %scan3A_29 iter_args(%scan3A_80 = %broadcast_in_dim3A_26, %scan3A_81 = %broadcast_in_dim3A_26) -> (vector<8x128xf32>, vector<8x128xf32>)  : i32 {
      %mul3A_82 = arith.constant 128 : i32
      %mul3A_83 = arith.muli %scan3A_79, %mul3A_82 : i32
      %get3A_84 = arith.constant 0 : index
      %get3A_85 = arith.index_cast %mul3A_83 : i32 to index
      %get3A_86 = arith.constant 0 : index
      %get3A_87 = vector.load %arg3[%get3A_84, %get3A_85, %get3A_86] : memref<1x12288x128xf32, #tpu.memory_space<vmem>>, vector<1x128x128xf32>
      %get3A_88 = vector.shape_cast %get3A_87 : vector<1x128x128xf32> to vector<128x128xf32>
      %le3A = vector.broadcast %bitcast_convert_type3A_24 : f32 to vector<128x128xf32>
      %le3A_89 = arith.cmpf ole, %get3A_88, %le3A : vector<128x128xf32>
      %convert_element_type3A_90 = arith.extui %le3A_89 : vector<128x128xi1> to vector<128x128xi32>
      %convert_element_type3A_91 = arith.sitofp %convert_element_type3A_90 : vector<128x128xi32> to vector<128x128xf32>
      %slice3A = vector.extract_strided_slice %convert_element_type3A_91 {offsets = [0, 0], sizes = [8, 128], strides = [1, 1]} : vector<128x128xf32> to vector<8x128xf32>
      %slice3A_92 = vector.extract_strided_slice %convert_element_type3A_91 {offsets = [8, 0], sizes = [8, 128], strides = [1, 1]} : vector<128x128xf32> to vector<8x128xf32>
      %slice3A_93 = vector.extract_strided_slice %convert_element_type3A_91 {offsets = [16, 0], sizes = [8, 128], strides = [1, 1]} : vector<128x128xf32> to vector<8x128xf32>
      %slice3A_94 = vector.extract_strided_slice %convert_element_type3A_91 {offsets = [24, 0], sizes = [8, 128], strides = [1, 1]} : vector<128x128xf32> to vector<8x128xf32>
      %slice3A_95 = vector.extract_strided_slice %convert_element_type3A_91 {offsets = [32, 0], sizes = [8, 128], strides = [1, 1]} : vector<128x128xf32> to vector<8x128xf32>
      %slice3A_96 = vector.extract_strided_slice %convert_element_type3A_91 {offsets = [40, 0], sizes = [8, 128], strides = [1, 1]} : vector<128x128xf32> to vector<8x128xf32>
      %slice3A_97 = vector.extract_strided_slice %convert_element_type3A_91 {offsets = [48, 0], sizes = [8, 128], strides = [1, 1]} : vector<128x128xf32> to vector<8x128xf32>
      %slice3A_98 = vector.extract_strided_slice %convert_element_type3A_91 {offsets = [56, 0], sizes = [8, 128], strides = [1, 1]} : vector<128x128xf32> to vector<8x128xf32>
      %slice3A_99 = vector.extract_strided_slice %convert_element_type3A_91 {offsets = [64, 0], sizes = [8, 128], strides = [1, 1]} : vector<128x128xf32> to vector<8x128xf32>
      %slice3A_100 = vector.extract_strided_slice %convert_element_type3A_91 {offsets = [72, 0], sizes = [8, 128], strides = [1, 1]} : vector<128x128xf32> to vector<8x128xf32>
      %slice3A_101 = vector.extract_strided_slice %convert_element_type3A_91 {offsets = [80, 0], sizes = [8, 128], strides = [1, 1]} : vector<128x128xf32> to vector<8x128xf32>
      %slice3A_102 = vector.extract_strided_slice %convert_element_type3A_91 {offsets = [88, 0], sizes = [8, 128], strides = [1, 1]} : vector<128x128xf32> to vector<8x128xf32>
      %slice3A_103 = vector.extract_strided_slice %convert_element_type3A_91 {offsets = [96, 0], sizes = [8, 128], strides = [1, 1]} : vector<128x128xf32> to vector<8x128xf32>
      %slice3A_104 = vector.extract_strided_slice %convert_element_type3A_91 {offsets = [104, 0], sizes = [8, 128], strides = [1, 1]} : vector<128x128xf32> to vector<8x128xf32>
      %slice3A_105 = vector.extract_strided_slice %convert_element_type3A_91 {offsets = [112, 0], sizes = [8, 128], strides = [1, 1]} : vector<128x128xf32> to vector<8x128xf32>
      %slice3A_106 = vector.extract_strided_slice %convert_element_type3A_91 {offsets = [120, 0], sizes = [8, 128], strides = [1, 1]} : vector<128x128xf32> to vector<8x128xf32>
      %add3A_107 = arith.addf %slice3A, %slice3A_92 : vector<8x128xf32>
      %add3A_108 = arith.addf %slice3A_93, %slice3A_94 : vector<8x128xf32>
      %add3A_109 = arith.addf %slice3A_95, %slice3A_96 : vector<8x128xf32>
      %add3A_110 = arith.addf %slice3A_97, %slice3A_98 : vector<8x128xf32>
      %add3A_111 = arith.addf %slice3A_99, %slice3A_100 : vector<8x128xf32>
      %add3A_112 = arith.addf %slice3A_101, %slice3A_102 : vector<8x128xf32>
      %add3A_113 = arith.addf %slice3A_103, %slice3A_104 : vector<8x128xf32>
      %add3A_114 = arith.addf %slice3A_105, %slice3A_106 : vector<8x128xf32>
      %add3A_115 = arith.addf %add3A_107, %add3A_108 : vector<8x128xf32>
      %add3A_116 = arith.addf %add3A_109, %add3A_110 : vector<8x128xf32>
      %add3A_117 = arith.addf %add3A_111, %add3A_112 : vector<8x128xf32>
      %add3A_118 = arith.addf %add3A_113, %add3A_114 : vector<8x128xf32>
      %add3A_119 = arith.addf %add3A_115, %add3A_116 : vector<8x128xf32>
      %add3A_120 = arith.addf %add3A_117, %add3A_118 : vector<8x128xf32>
      %add3A_121 = arith.addf %add3A_119, %add3A_120 : vector<8x128xf32>
      %add3A_122 = arith.addf %scan3A_80, %add3A_121 : vector<8x128xf32>
      %le3A_123 = vector.broadcast %bitcast_convert_type3A_25 : f32 to vector<128x128xf32>
      %le3A_124 = arith.cmpf ole, %get3A_88, %le3A_123 : vector<128x128xf32>
      %convert_element_type3A_125 = arith.extui %le3A_124 : vector<128x128xi1> to vector<128x128xi32>
      %convert_element_type3A_126 = arith.sitofp %convert_element_type3A_125 : vector<128x128xi32> to vector<128x128xf32>
      %slice3A_127 = vector.extract_strided_slice %convert_element_type3A_126 {offsets = [0, 0], sizes = [8, 128], strides = [1, 1]} : vector<128x128xf32> to vector<8x128xf32>
      %slice3A_128 = vector.extract_strided_slice %convert_element_type3A_126 {offsets = [8, 0], sizes = [8, 128], strides = [1, 1]} : vector<128x128xf32> to vector<8x128xf32>
      %slice3A_129 = vector.extract_strided_slice %convert_element_type3A_126 {offsets = [16, 0], sizes = [8, 128], strides = [1, 1]} : vector<128x128xf32> to vector<8x128xf32>
      %slice3A_130 = vector.extract_strided_slice %convert_element_type3A_126 {offsets = [24, 0], sizes = [8, 128], strides = [1, 1]} : vector<128x128xf32> to vector<8x128xf32>
      %slice3A_131 = vector.extract_strided_slice %convert_element_type3A_126 {offsets = [32, 0], sizes = [8, 128], strides = [1, 1]} : vector<128x128xf32> to vector<8x128xf32>
      %slice3A_132 = vector.extract_strided_slice %convert_element_type3A_126 {offsets = [40, 0], sizes = [8, 128], strides = [1, 1]} : vector<128x128xf32> to vector<8x128xf32>
      %slice3A_133 = vector.extract_strided_slice %convert_element_type3A_126 {offsets = [48, 0], sizes = [8, 128], strides = [1, 1]} : vector<128x128xf32> to vector<8x128xf32>
      %slice3A_134 = vector.extract_strided_slice %convert_element_type3A_126 {offsets = [56, 0], sizes = [8, 128], strides = [1, 1]} : vector<128x128xf32> to vector<8x128xf32>
      %slice3A_135 = vector.extract_strided_slice %convert_element_type3A_126 {offsets = [64, 0], sizes = [8, 128], strides = [1, 1]} : vector<128x128xf32> to vector<8x128xf32>
      %slice3A_136 = vector.extract_strided_slice %convert_element_type3A_126 {offsets = [72, 0], sizes = [8, 128], strides = [1, 1]} : vector<128x128xf32> to vector<8x128xf32>
      %slice3A_137 = vector.extract_strided_slice %convert_element_type3A_126 {offsets = [80, 0], sizes = [8, 128], strides = [1, 1]} : vector<128x128xf32> to vector<8x128xf32>
      %slice3A_138 = vector.extract_strided_slice %convert_element_type3A_126 {offsets = [88, 0], sizes = [8, 128], strides = [1, 1]} : vector<128x128xf32> to vector<8x128xf32>
      %slice3A_139 = vector.extract_strided_slice %convert_element_type3A_126 {offsets = [96, 0], sizes = [8, 128], strides = [1, 1]} : vector<128x128xf32> to vector<8x128xf32>
      %slice3A_140 = vector.extract_strided_slice %convert_element_type3A_126 {offsets = [104, 0], sizes = [8, 128], strides = [1, 1]} : vector<128x128xf32> to vector<8x128xf32>
      %slice3A_141 = vector.extract_strided_slice %convert_element_type3A_126 {offsets = [112, 0], sizes = [8, 128], strides = [1, 1]} : vector<128x128xf32> to vector<8x128xf32>
      %slice3A_142 = vector.extract_strided_slice %convert_element_type3A_126 {offsets = [120, 0], sizes = [8, 128], strides = [1, 1]} : vector<128x128xf32> to vector<8x128xf32>
      %add3A_143 = arith.addf %slice3A_127, %slice3A_128 : vector<8x128xf32>
      %add3A_144 = arith.addf %slice3A_129, %slice3A_130 : vector<8x128xf32>
      %add3A_145 = arith.addf %slice3A_131, %slice3A_132 : vector<8x128xf32>
      %add3A_146 = arith.addf %slice3A_133, %slice3A_134 : vector<8x128xf32>
      %add3A_147 = arith.addf %slice3A_135, %slice3A_136 : vector<8x128xf32>
      %add3A_148 = arith.addf %slice3A_137, %slice3A_138 : vector<8x128xf32>
      %add3A_149 = arith.addf %slice3A_139, %slice3A_140 : vector<8x128xf32>
      %add3A_150 = arith.addf %slice3A_141, %slice3A_142 : vector<8x128xf32>
      %add3A_151 = arith.addf %add3A_143, %add3A_144 : vector<8x128xf32>
      %add3A_152 = arith.addf %add3A_145, %add3A_146 : vector<8x128xf32>
      %add3A_153 = arith.addf %add3A_147, %add3A_148 : vector<8x128xf32>
      %add3A_154 = arith.addf %add3A_149, %add3A_150 : vector<8x128xf32>
      %add3A_155 = arith.addf %add3A_151, %add3A_152 : vector<8x128xf32>
      %add3A_156 = arith.addf %add3A_153, %add3A_154 : vector<8x128xf32>
      %add3A_157 = arith.addf %add3A_155, %add3A_156 : vector<8x128xf32>
      %add3A_158 = arith.addf %scan3A_81, %add3A_157 : vector<8x128xf32>
      scf.yield %add3A_122, %add3A_158 : vector<8x128xf32>, vector<8x128xf32>
    }
    %scan3A_31 = arith.constant 96 : i32
    %reduce_sum3A = vector.shape_cast %scan3A_30#0 : vector<8x128xf32> to vector<1x8x128xf32>
    %reduce_sum3A_32 = arith.constant dense<0.000000e+00> : vector<1xf32>
    %reduce_sum3A_33 = vector.multi_reduction <add>, %reduce_sum3A, %reduce_sum3A_32 [1, 2] : vector<1x8x128xf32> to vector<1xf32>
    %reduce_sum3A_34 = vector.shape_cast %reduce_sum3A_33 : vector<1xf32> to vector<1x1x1xf32>
    %reduce_sum3A_35 = vector.extract %reduce_sum3A_34[0, 0, 0] : f32 from vector<1x1x1xf32>
    %reduce_sum3A_36 = vector.shape_cast %scan3A_30#1 : vector<8x128xf32> to vector<1x8x128xf32>
    %reduce_sum3A_37 = arith.constant dense<0.000000e+00> : vector<1xf32>
    %reduce_sum3A_38 = vector.multi_reduction <add>, %reduce_sum3A_36, %reduce_sum3A_37 [1, 2] : vector<1x8x128xf32> to vector<1xf32>
    %reduce_sum3A_39 = vector.shape_cast %reduce_sum3A_38 : vector<1xf32> to vector<1x1x1xf32>
    %reduce_sum3A_40 = vector.extract %reduce_sum3A_39[0, 0, 0] : f32 from vector<1x1x1xf32>
    %ge3A = arith.cmpf oge, %reduce_sum3A_35, %convert_element_type3A : f32
    %ge3A_41 = arith.cmpf oge, %reduce_sum3A_40, %convert_element_type3A : f32
    %select_n3A = arith.select %ge3A_41, %min3A, %min3A_23 : i32
    %jit3A_42 = arith.constant -1 : i32
    %select_n3A_43 = arith.select %ge3A, %jit3A_42, %select_n3A : i32
    %select_n3A_44 = arith.select %ge3A_41, %reduce_sum3A_35, %reduce_sum3A_40 : f32
    %jit3A_45 = arith.constant 0.000000e+00 : f32
    %select_n3A_46 = arith.select %ge3A, %jit3A_45, %select_n3A_44 : f32
    %jit3A_47 = arith.constant 2139095040 : i32
    %select_n3A_48 = arith.select %ge3A_41, %min3A_23, %jit3A_47 : i32
    %select_n3A_49 = arith.select %ge3A, %min3A, %select_n3A_48 : i32
    %jit3A_50 = arith.constant 0x49C00000 : f32
    %select_n3A_51 = arith.select %ge3A_41, %reduce_sum3A_40, %jit3A_50 : f32
    %select_n3A_52 = arith.select %ge3A, %reduce_sum3A_35, %select_n3A_51 : f32
    %while3A = arith.constant 0 : i32
    %while3A_53:5 = scf.while (%while3A_79 = %select_n3A_43, %while3A_80 = %select_n3A_49, %while3A_81 = %select_n3A_46, %while3A_82 = %select_n3A_52, %while3A_83 = %while3A) : (i32, i32, f32, f32, i32) -> (i32, i32, f32, f32, i32) {
      %sub3A_84 = arith.subi %while3A_80, %while3A_79 : i32
      %gt3A_85 = arith.constant 1 : i32
      %gt3A_86 = arith.cmpi sgt, %sub3A_84, %gt3A_85 : i32
      %sub3A_87 = arith.constant 1.000000e+00 : f32
      %sub3A_88 = arith.subf %convert_element_type3A, %sub3A_87 : f32
      %eq3A_89 = arith.cmpf oeq, %while3A_81, %sub3A_88 : f32
      %eq3A_90 = arith.cmpf oeq, %while3A_82, %convert_element_type3A : f32
      %and3A_91 = arith.andi %eq3A_89, %eq3A_90 : i1
      %not3A = arith.constant true
      %not3A_92 = arith.xori %and3A_91, %not3A : i1
      %and3A_93 = arith.andi %gt3A_86, %not3A_92 : i1
      scf.condition(%and3A_93) %while3A_79, %while3A_80, %while3A_81, %while3A_82, %while3A_83 : i32, i32, f32, f32, i32
    } do {
    ^bb0(%while3A_79: i32, %while3A_80: i32, %while3A_81: f32, %while3A_82: f32, %while3A_83: i32):
      %max3A_84 = arith.constant 0 : i32
      %max3A_85 = arith.maxsi %while3A_79, %max3A_84 : i32
      %bitcast_convert_type3A_86 = arith.bitcast %max3A_85 : i32 to f32
      %bitcast_convert_type3A_87 = arith.bitcast %while3A_80 : i32 to f32
      %sub3A_88 = arith.subf %convert_element_type3A, %while3A_81 : f32
      %sub3A_89 = arith.subf %while3A_82, %while3A_81 : f32
      %div3A_90 = arith.divf %sub3A_88, %sub3A_89 : f32
      %sub3A_91 = arith.subf %bitcast_convert_type3A_87, %bitcast_convert_type3A_86 : f32
      %mul3A_92 = arith.mulf %sub3A_91, %div3A_90 : f32
      %add3A_93 = arith.addf %bitcast_convert_type3A_86, %mul3A_92 : f32
      %sub3A_94 = arith.subi %while3A_80, %while3A_79 : i32
      %jit3A_95 = arith.constant 2 : i32
      %div3A_96 = arith.divsi %sub3A_94, %jit3A_95 : i32
      %sign3A = arith.constant 0 : i32
      %sign3A_97 = arith.cmpi sgt, %sub3A_94, %sign3A : i32
      %sign3A_98 = arith.extui %sign3A_97 : i1 to i32
      %sign3A_99 = arith.constant 0 : i32
      %sign3A_100 = arith.cmpi slt, %sub3A_94, %sign3A_99 : i32
      %sign3A_101 = arith.extui %sign3A_100 : i1 to i32
      %sign3A_102 = arith.subi %sign3A_98, %sign3A_101 : i32
      %sign3A_103 = arith.constant 0 : i32
      %sign3A_104 = arith.cmpi sgt, %jit3A_95, %sign3A_103 : i32
      %sign3A_105 = arith.extui %sign3A_104 : i1 to i32
      %sign3A_106 = arith.constant 0 : i32
      %sign3A_107 = arith.cmpi slt, %jit3A_95, %sign3A_106 : i32
      %sign3A_108 = arith.extui %sign3A_107 : i1 to i32
      %sign3A_109 = arith.subi %sign3A_105, %sign3A_108 : i32
      %ne3A = arith.cmpi ne, %sign3A_102, %sign3A_109 : i32
      %rem3A = arith.remsi %sub3A_94, %jit3A_95 : i32
      %ne3A_110 = arith.constant 0 : i32
      %ne3A_111 = arith.cmpi ne, %rem3A, %ne3A_110 : i32
      %and3A_112 = arith.andi %ne3A, %ne3A_111 : i1
      %sub3A_113 = arith.constant 1 : i32
      %sub3A_114 = arith.subi %div3A_96, %sub3A_113 : i32
      %select_n3A_115 = arith.select %and3A_112, %sub3A_114, %div3A_96 : i32
      %add3A_116 = arith.addi %while3A_79, %select_n3A_115 : i32
      %lt3A_117 = arith.constant 2139095040 : i32
      %lt3A_118 = arith.cmpi slt, %while3A_80, %lt3A_117 : i32
      %bitcast_convert_type3A_119 = arith.bitcast %add3A_93 : f32 to i32
      %add3A_120 = arith.constant 1 : i32
      %add3A_121 = arith.addi %while3A_79, %add3A_120 : i32
      %sub3A_122 = arith.constant 1 : i32
      %sub3A_123 = arith.subi %while3A_80, %sub3A_122 : i32
      %max3A_124 = arith.maxsi %add3A_121, %bitcast_convert_type3A_119 : i32
      %min3A_125 = arith.minsi %sub3A_123, %max3A_124 : i32
      %select_n3A_126 = arith.select %lt3A_118, %min3A_125, %add3A_116 : i32
      %jit3A_127 = arith.constant 3 : i32
      %eq3A_128 = arith.constant 0 : i32
      %eq3A_129 = arith.cmpi eq, %jit3A_127, %eq3A_128 : i32
      %jit3A_130 = arith.constant 1 : i32
      %select_n3A_131 = arith.select %eq3A_129, %jit3A_130, %jit3A_127 : i32
      %rem3A_132 = arith.remsi %while3A_83, %select_n3A_131 : i32
      %ne3A_133 = arith.constant 0 : i32
      %ne3A_134 = arith.cmpi ne, %rem3A_132, %ne3A_133 : i32
      %lt3A_135 = arith.constant 0 : i32
      %lt3A_136 = arith.cmpi slt, %rem3A_132, %lt3A_135 : i32
      %lt3A_137 = arith.constant 0 : i32
      %lt3A_138 = arith.cmpi slt, %select_n3A_131, %lt3A_137 : i32
      %ne3A_139 = arith.xori %lt3A_136, %lt3A_138 : i1
      %and3A_140 = arith.andi %ne3A_139, %ne3A_134 : i1
      %add3A_141 = arith.addi %rem3A_132, %select_n3A_131 : i32
      %select_n3A_142 = arith.select %and3A_140, %add3A_141, %rem3A_132 : i32
      %eq3A_143 = arith.constant 2 : i32
      %eq3A_144 = arith.cmpi eq, %select_n3A_142, %eq3A_143 : i32
      %select_n3A_145 = arith.select %eq3A_144, %add3A_116, %select_n3A_126 : i32
      %bitcast_convert_type3A_146 = arith.bitcast %select_n3A_145 : i32 to f32
      %broadcast_in_dim3A_147 = arith.constant 0.000000e+00 : f32
      %broadcast_in_dim3A_148 = vector.broadcast %broadcast_in_dim3A_147 : f32 to vector<8x128xf32>
      %scan3A_149 = arith.constant 0 : i32
      %scan3A_150 = arith.constant 96 : i32
      %scan3A_151 = arith.addi %scan3A_149, %scan3A_150 : i32
      %scan3A_152 = arith.constant 1 : i32
      %scan3A_153 = scf.for %scan3A_172 = %scan3A_149 to %scan3A_151 step %scan3A_152 iter_args(%scan3A_173 = %broadcast_in_dim3A_148) -> (vector<8x128xf32>)  : i32 {
        %mul3A_174 = arith.constant 128 : i32
        %mul3A_175 = arith.muli %scan3A_172, %mul3A_174 : i32
        %get3A_176 = arith.constant 0 : index
        %get3A_177 = arith.index_cast %mul3A_175 : i32 to index
        %get3A_178 = arith.constant 0 : index
        %get3A_179 = vector.load %arg3[%get3A_176, %get3A_177, %get3A_178] : memref<1x12288x128xf32, #tpu.memory_space<vmem>>, vector<1x128x128xf32>
        %get3A_180 = vector.shape_cast %get3A_179 : vector<1x128x128xf32> to vector<128x128xf32>
        %le3A = vector.broadcast %bitcast_convert_type3A_146 : f32 to vector<128x128xf32>
        %le3A_181 = arith.cmpf ole, %get3A_180, %le3A : vector<128x128xf32>
        %convert_element_type3A_182 = arith.extui %le3A_181 : vector<128x128xi1> to vector<128x128xi32>
        %convert_element_type3A_183 = arith.sitofp %convert_element_type3A_182 : vector<128x128xi32> to vector<128x128xf32>
        %slice3A = vector.extract_strided_slice %convert_element_type3A_183 {offsets = [0, 0], sizes = [8, 128], strides = [1, 1]} : vector<128x128xf32> to vector<8x128xf32>
        %slice3A_184 = vector.extract_strided_slice %convert_element_type3A_183 {offsets = [8, 0], sizes = [8, 128], strides = [1, 1]} : vector<128x128xf32> to vector<8x128xf32>
        %slice3A_185 = vector.extract_strided_slice %convert_element_type3A_183 {offsets = [16, 0], sizes = [8, 128], strides = [1, 1]} : vector<128x128xf32> to vector<8x128xf32>
        %slice3A_186 = vector.extract_strided_slice %convert_element_type3A_183 {offsets = [24, 0], sizes = [8, 128], strides = [1, 1]} : vector<128x128xf32> to vector<8x128xf32>
        %slice3A_187 = vector.extract_strided_slice %convert_element_type3A_183 {offsets = [32, 0], sizes = [8, 128], strides = [1, 1]} : vector<128x128xf32> to vector<8x128xf32>
        %slice3A_188 = vector.extract_strided_slice %convert_element_type3A_183 {offsets = [40, 0], sizes = [8, 128], strides = [1, 1]} : vector<128x128xf32> to vector<8x128xf32>
        %slice3A_189 = vector.extract_strided_slice %convert_element_type3A_183 {offsets = [48, 0], sizes = [8, 128], strides = [1, 1]} : vector<128x128xf32> to vector<8x128xf32>
        %slice3A_190 = vector.extract_strided_slice %convert_element_type3A_183 {offsets = [56, 0], sizes = [8, 128], strides = [1, 1]} : vector<128x128xf32> to vector<8x128xf32>
        %slice3A_191 = vector.extract_strided_slice %convert_element_type3A_183 {offsets = [64, 0], sizes = [8, 128], strides = [1, 1]} : vector<128x128xf32> to vector<8x128xf32>
        %slice3A_192 = vector.extract_strided_slice %convert_element_type3A_183 {offsets = [72, 0], sizes = [8, 128], strides = [1, 1]} : vector<128x128xf32> to vector<8x128xf32>
        %slice3A_193 = vector.extract_strided_slice %convert_element_type3A_183 {offsets = [80, 0], sizes = [8, 128], strides = [1, 1]} : vector<128x128xf32> to vector<8x128xf32>
        %slice3A_194 = vector.extract_strided_slice %convert_element_type3A_183 {offsets = [88, 0], sizes = [8, 128], strides = [1, 1]} : vector<128x128xf32> to vector<8x128xf32>
        %slice3A_195 = vector.extract_strided_slice %convert_element_type3A_183 {offsets = [96, 0], sizes = [8, 128], strides = [1, 1]} : vector<128x128xf32> to vector<8x128xf32>
        %slice3A_196 = vector.extract_strided_slice %convert_element_type3A_183 {offsets = [104, 0], sizes = [8, 128], strides = [1, 1]} : vector<128x128xf32> to vector<8x128xf32>
        %slice3A_197 = vector.extract_strided_slice %convert_element_type3A_183 {offsets = [112, 0], sizes = [8, 128], strides = [1, 1]} : vector<128x128xf32> to vector<8x128xf32>
        %slice3A_198 = vector.extract_strided_slice %convert_element_type3A_183 {offsets = [120, 0], sizes = [8, 128], strides = [1, 1]} : vector<128x128xf32> to vector<8x128xf32>
        %add3A_199 = arith.addf %slice3A, %slice3A_184 : vector<8x128xf32>
        %add3A_200 = arith.addf %slice3A_185, %slice3A_186 : vector<8x128xf32>
        %add3A_201 = arith.addf %slice3A_187, %slice3A_188 : vector<8x128xf32>
        %add3A_202 = arith.addf %slice3A_189, %slice3A_190 : vector<8x128xf32>
        %add3A_203 = arith.addf %slice3A_191, %slice3A_192 : vector<8x128xf32>
        %add3A_204 = arith.addf %slice3A_193, %slice3A_194 : vector<8x128xf32>
        %add3A_205 = arith.addf %slice3A_195, %slice3A_196 : vector<8x128xf32>
        %add3A_206 = arith.addf %slice3A_197, %slice3A_198 : vector<8x128xf32>
        %add3A_207 = arith.addf %add3A_199, %add3A_200 : vector<8x128xf32>
        %add3A_208 = arith.addf %add3A_201, %add3A_202 : vector<8x128xf32>
        %add3A_209 = arith.addf %add3A_203, %add3A_204 : vector<8x128xf32>
        %add3A_210 = arith.addf %add3A_205, %add3A_206 : vector<8x128xf32>
        %add3A_211 = arith.addf %add3A_207, %add3A_208 : vector<8x128xf32>
        %add3A_212 = arith.addf %add3A_209, %add3A_210 : vector<8x128xf32>
        %add3A_213 = arith.addf %add3A_211, %add3A_212 : vector<8x128xf32>
        %add3A_214 = arith.addf %scan3A_173, %add3A_213 : vector<8x128xf32>
        scf.yield %add3A_214 : vector<8x128xf32>
      }
      %scan3A_154 = arith.constant 96 : i32
      %reduce_sum3A_155 = vector.shape_cast %scan3A_153 : vector<8x128xf32> to vector<1x8x128xf32>
      %reduce_sum3A_156 = arith.constant dense<0.000000e+00> : vector<1xf32>
      %reduce_sum3A_157 = vector.multi_reduction <add>, %reduce_sum3A_155, %reduce_sum3A_156 [1, 2] : vector<1x8x128xf32> to vector<1xf32>
      %reduce_sum3A_158 = vector.shape_cast %reduce_sum3A_157 : vector<1xf32> to vector<1x1x1xf32>
      %reduce_sum3A_159 = vector.extract %reduce_sum3A_158[0, 0, 0] : f32 from vector<1x1x1xf32>
      %ge3A_160 = arith.cmpf oge, %reduce_sum3A_159, %convert_element_type3A : f32
      %ge3A_161 = arith.cmpf oge, %reduce_sum3A_159, %convert_element_type3A : f32
      %select_n3A_162 = arith.select %ge3A_161, %select_n3A_145, %select_n3A_145 : i32
      %select_n3A_163 = arith.select %ge3A_160, %while3A_79, %select_n3A_162 : i32
      %select_n3A_164 = arith.select %ge3A_161, %reduce_sum3A_159, %reduce_sum3A_159 : f32
      %select_n3A_165 = arith.select %ge3A_160, %while3A_81, %select_n3A_164 : f32
      %select_n3A_166 = arith.select %ge3A_161, %select_n3A_145, %while3A_80 : i32
      %select_n3A_167 = arith.select %ge3A_160, %select_n3A_145, %select_n3A_166 : i32
      %select_n3A_168 = arith.select %ge3A_161, %reduce_sum3A_159, %while3A_82 : f32
      %select_n3A_169 = arith.select %ge3A_160, %reduce_sum3A_159, %select_n3A_168 : f32
      %add3A_170 = arith.constant 1 : i32
      %add3A_171 = arith.addi %while3A_83, %add3A_170 : i32
      scf.yield %select_n3A_163, %select_n3A_167, %select_n3A_165, %select_n3A_169, %add3A_171 : i32, i32, f32, f32, i32
    }
    %gt3A = arith.constant 0.000000e+00 : f32
    %gt3A_54 = arith.cmpf ogt, %get3A_5, %gt3A : f32
    %lt3A = arith.cmpf olt, %while3A_53#3, %convert_element_type3A_3 : f32
    %and3A = arith.andi %gt3A_54, %lt3A : i1
    %sub3A_55 = arith.constant 1.000000e+00 : f32
    %sub3A_56 = arith.subf %convert_element_type3A, %sub3A_55 : f32
    %eq3A = arith.cmpf oeq, %while3A_53#2, %sub3A_56 : f32
    %eq3A_57 = arith.cmpf oeq, %while3A_53#3, %convert_element_type3A : f32
    %and3A_58 = arith.andi %eq3A, %eq3A_57 : i1
    %gt3A_59 = arith.constant 0.000000e+00 : f32
    %gt3A_60 = arith.cmpf ogt, %get3A_5, %gt3A_59 : f32
    %add3A_61 = arith.constant 1 : i32
    %add3A_62 = arith.addi %while3A_53#1, %add3A_61 : i32
    %add3A_63 = arith.constant 1 : i32
    %add3A_64 = arith.addi %while3A_53#0, %add3A_63 : i32
    %select_n3A_65 = arith.select %gt3A_60, %add3A_62, %add3A_64 : i32
    %convert_element_type3A_66 = arith.extui %and3A : i1 to i32
    %add3A_67 = arith.addi %while3A_53#1, %convert_element_type3A_66 : i32
    %select_n3A_68 = arith.select %and3A_58, %select_n3A_65, %add3A_67 : i32
    %bitcast_convert_type3A_69 = arith.bitcast %select_n3A_68 : i32 to f32
    %gt3A_70 = arith.constant 0.000000e+00 : f32
    %gt3A_71 = arith.cmpf ogt, %get3A_7, %gt3A_70 : f32
    %jit3A_72 = arith.constant 0x7F800000 : f32
    %select_n3A_73 = arith.select %gt3A_71, %jit3A_72, %bitcast_convert_type3A_69 : f32
    %scan3A_74 = arith.constant 0 : i32
    %scan3A_75 = arith.constant 24 : i32
    %scan3A_76 = arith.addi %scan3A_74, %scan3A_75 : i32
    %scan3A_77 = arith.constant 1 : i32
    scf.for %scan3A_79 = %scan3A_74 to %scan3A_76 step %scan3A_77  : i32 {
      %mul3A_80 = arith.constant 512 : i32
      %mul3A_81 = arith.muli %scan3A_79, %mul3A_80 : i32
      %get3A_82 = arith.constant 0 : index
      %get3A_83 = arith.index_cast %mul3A_81 : i32 to index
      %get3A_84 = arith.constant 0 : index
      %get3A_85 = vector.load %arg3[%get3A_82, %get3A_83, %get3A_84] : memref<1x12288x128xf32, #tpu.memory_space<vmem>>, vector<1x512x128xf32>
      %get3A_86 = vector.shape_cast %get3A_85 : vector<1x512x128xf32> to vector<512x128xf32>
      %ge3A_87 = vector.broadcast %select_n3A_73 : f32 to vector<512x128xf32>
      %ge3A_88 = arith.cmpf oge, %get3A_86, %ge3A_87 : vector<512x128xf32>
      %convert_element_type3A_89 = arith.extui %ge3A_88 : vector<512x128xi1> to vector<512x128xi32>
      %convert_element_type3A_90 = arith.sitofp %convert_element_type3A_89 : vector<512x128xi32> to vector<512x128xf32>
      %mul3A_91 = arith.constant 512 : i32
      %mul3A_92 = arith.muli %scan3A_79, %mul3A_91 : i32
      %swap3A = arith.constant 0 : index
      %swap3A_93 = arith.index_cast %mul3A_92 : i32 to index
      %swap3A_94 = arith.constant 0 : index
      %swap3A_95 = vector.load %arg4[%swap3A, %swap3A_93, %swap3A_94] : memref<1x12288x128xf32, #tpu.memory_space<vmem>>, vector<1x512x128xf32>
      %swap3A_96 = vector.shape_cast %swap3A_95 : vector<1x512x128xf32> to vector<512x128xf32>
      %swap3A_97 = vector.shape_cast %convert_element_type3A_90 : vector<512x128xf32> to vector<1x512x128xf32>
      tpu.vector_store %arg4[%swap3A, %swap3A_93, %swap3A_94], %swap3A_97 {strides = array<i32>} : memref<1x12288x128xf32, #tpu.memory_space<vmem>>, vector<1x512x128xf32>,
    }
    %scan3A_78 = arith.constant 24 : i32
    return
  }
  func.func @transform_0(%arg0: i32) -> i32 {
    %c0_i32 = arith.constant 0 : i32
    %c0_i32_0 = arith.constant 0 : i32
    return %c0_i32 : i32
  }
  func.func @transform_1(%arg0: i32) -> i32 {
    %c0_i32 = arith.constant 0 : i32
    %c0_i32_0 = arith.constant 0 : i32
    return %c0_i32 : i32
  }
  func.func @transform_2(%arg0: i32) -> (i32, i32, i32) {
    %c0_i32 = arith.constant 0 : i32
    %c0_i32_0 = arith.constant 0 : i32
    %c0_i32_1 = arith.constant 0 : i32
    return %arg0, %c0_i32, %c0_i32_0 : i32, i32, i32
  }
  func.func @transform_3(%arg0: i32) -> (i32, i32, i32) {
    %c0_i32 = arith.constant 0 : i32
    %c0_i32_0 = arith.constant 0 : i32
    %c0_i32_1 = arith.constant 0 : i32
    return %arg0, %c0_i32, %c0_i32_0 : i32, i32, i32
  }
}

</mosaic_0001>

<sc_bundles>
// kernel: sparse-core-data-format-call.cloned.1.call-start
scs
called_computation_lowered:
.L_overlay_start_0:
0x0: {  	s2 =	sld [smem:$0x3FD9]  }
0x1: {  	s3 =	sld [smem:$0x3FFE];
	_ =	sdelay $0x1  }
0x2: {  	s1 =	srdreg.scid  }
0x3: {  	s0 =	sand.u32 $0x1, s1  }
0x4: {  	s18 =	sshll.u32 s0, $0xA;
	s2 =	sadd.s32 s3, s2  }
0x5: {  	s2 =	sadd.s32 s2, s18  }
0x6: {  	[smem:$0x3FC6] =	sst s2  }
0x7: {  	_ = 	snop  }
0x8: {  	s2 =	sld [smem:$0x3FD0];
	(tm) =	ssettm $0x1  }
0x9: {  	s19 =	sld [smem:$0x3FFB];
	_ =	sdelay $0x3  }
0xa: {  	_ =	strace s19  }
0xb: {  	s3 =	sld [smem:$0x3FFC];
	_ =	sdelay $0x3  }
0xc: {  	_ =	strace s3  }
0xd: {  	s3 =	sld [smem:$0x3FFD];
	_ =	sdelay $0x3  }
0xe: {  	_ =	strace s3  }
0xf: {  	_ =	strace $0x8FFFFFFF  }
0x10: {  	s20 =	sld [smem:$0x3FDB];
	_ =	sdelay $0x1  }
0x11: {  	s4 =	simm.s32 $_scs_section_size  }
0x12: {  	s5 =	simm.s32 $_size__tile_overlayer_lowered;
	s6 =	simm.s32 $_tile_overlayer_lowered  }
0x13: {  	s23 =	simm.s32 $0x1BFF;
	s22 =	sshll.u32 s6, $0x1;
	s3 =	sadd.s32 s4, s20  }
0x14: {  	s7 =	simm.s32 $0x0;
	s21 =	sshll.u32 s5, $0x1;
	s5 =	sadd.s32 s22, s3  }
0x15: {  	[timem:s7], [sflag:s23] =	dma.local [hbm:s5], s21  }
0x16: {  	_ =	swait.ge [sflag:s23], s21  }
0x17: {  	s4 =	ssub.s32 $0x0, s21;
	[sflag:s23] =	ssyncset.done $0x0  }
0x18: {  	[sflag:s23] =	ssyncadd.s32 s4;
	_ =	sdelay $0x1  }
0x19: {  	s24 =	simm.s32 $0x1B8B  }
0x1a: {  	_ =	swait.ge [sflag:s24], $0x1  }
0x1b: {  	[sflag:s24] =	ssyncset.done $0x0  }
0x1c: {  	s26 =	simm.s32 $0x1B8E;
	s25 =	sld [smem:$0x3FFE];
	[sflag:s24] =	ssyncadd.s32 $0xFFFFFFFF  }
0x1d: {  	s27 =	simm.s32 $execute0_lowered;
	[smem:$0x3FD2] =	sst s26  }
0x1e: {  	s5 =	sshll.u32 s27, $0x1;
	_ =	strace $0x80000046;
	[dreg:$0x1] =	wrdreg $0xFFFFFFFF  }
0x1f: {  	s28 =	simm.s32 $_size_execute0_lowered;
	s3 =	sadd.s32 s3, s5;
	[dreg:$0x0] =	wrdreg $0x0  }
0x20: {  	s5 =	sshll.u32 s28, $0x1;
	[dreg:$0x2] =	wrdreg s3  }
0x21: {  	[dreg:$0x3] =	wrdreg s5  }
0x22: {  	[dreg:$0x4] =	wrdreg $0xC0  }
0x23: {  	_ =	task [dreg:s7], $0x5FFFF  }
0x24: {  	[dreg:$0x1] =	wrdreg $0xFFFFFFFF  }
0x25: {  	[dreg:$0x0] =	wrdreg $0x60  }
0x26: {  	[dreg:$0x2] =	wrdreg s25  }
0x27: {  	[dreg:$0x3] =	wrdreg s2  }
0x28: {  	[dreg:$0x4] =	wrdreg $0x9  }
0x29: {  	_ =	task.clear_ibuf [dreg:s7], $0x5FFFF;
	_ =	strace $0x90000046  }
0x2a: {  	s29 =	simm.s32 $0x9;
	_ =	strace $0x80000048  }
0x2b: {  	_ =	swait.ge [sflag:s29], $0x1  }
0x2c: {  	[sflag:s29] =	ssyncadd.s32 $0xFFFFFFFF  }
0x2d: {  	_ =	strace $0x90000048  }
0x2e: {  	_ =	sfence  }
0x2f: {  	s30 =	sld [smem:$0x0];
	_ =	sdelay $0x2  }
0x30: {  	s31 =	sshll.u32 s1, $0xD;
	s1 =	sshrl.u32 s1, $0x2  }
0x31: {  	s3 =	sand.u32 $0x4000, s31;
	s1 =	sadd.s32 s1, s30  }
0x32: {  	s0 =	sor.u32 s3, s0;
	s1 =	sshll.u32 s1, $0x11  }
0x33: {  	s0 =	sor.u32 s1, s0  }
0x34: {  	s0 =	sadd.s32 $0x8F2B, s0  }
0x35: {  	[sflag:s0] =	ssyncadd.remote.s32 $0x1  }
0x36: {  	_ =	sfence.sel $0xFFFF  }
0x37: {  	[dreg:$0x0] =	wrdreg $0xFFFFFFFF;
	(pc) =	sbr.abs _section_cstart, $3  }
0x38: {  	[dreg:$0x1] =	wrdreg $0xFFFFFFFF  }
0x39: {  	_ =	task.clear_ibuf [dreg:s7], $0x2FFFF;
	_ =	strace $0x9FFFFFFF  }
0x3a: {  	(tm) =	ssettm $0x7FFFFFFF  }
0x3b: {  	_ =	shalt  }
tec
execute0_lowered:
.L_overlay_start_1:
0x0: {  	(tag) =	ssettag $0x1  }
0x1: {  	s3 =	rddreg [dreg:$0x0]  }
0x2: {  	s0 =	srdreg.scid;
	s2 =	rddreg [dreg:$0x1]  }
0x3: {  	s4 =	simm.s32 $0x1;
	s7 =	simm.s32 $0x2;
	s13 =	simm.s32 $0x0  }
0x4: {  	p0 =	por $0x0, $0x0;
	s8 =	simm.s32 $0xC00;
	s1 =	sand.u32 $0x1, s0  }
0x5: {  	s15 =	simm.s32 $0x0;
	s14 =	simm.s32 $0x0;
	s5 =	ssub.s32 $0x40, s1  }
.Ltmp0:
0x6: {  	s10 =	simm.s32 $0x0;
	s6 =	sshrl.u32 s5, $0x1;
	(pc) =	sbr.rel .LBB1_1-.Ltmp0, $4  }
0x7: {  	s0 =	rddreg [dreg:$0x2];
	_ =	strace $0x80000047;
	s5 =	ssub.s32 s5, s6  }
0x8: {  	s11 =	stileid.u32;
	[sflag:s4] =	ssyncpa.u1 $0x0;
	s5 =	smul.u32 $0x3, s5  }
0x9: {  	s12 =	simm.s32 $0x0;
	s9 =	smov.u32 s1;
	[sflag:s7] =	ssyncpa.u1 $0x0  }
0xa: {  	s6 =	sadd.s32 $0x300400, s3;
	s3 =	stileid.u32;
	s7 =	sadd.s32 $0x1, s5  }
.LBB1_4:
0xb: {  	s18 =	sshll.u32 s15, $0x3  }
0xc: {  	s30 =	sand.u32 $0x7F, s15;
	s18 =	sand.u32 $0xFFFFFC00, s18  }
0xd: {  	s15 =	sor.u32 s30, s18  }
0xe: {  	s19 =	smulhi.u32 $0xAAAAAAAB, s15  }
0xf: {  	s18 =	smulhi.u32 $0xAAAAAAAB, s18  }
0x10: {  	s14 =	smul.u32 $0x30000, s14;
	s19 =	sshrl.u32 s19, $0x8  }
0x11: {  	s18 =	sshrl.u32 s18, $0x8;
	s19 =	smul.u32 $0x180, s19  }
0x12: {  	s13 =	smul.u32 $0xC00, s13;
	s18 =	sand.u32 $0x3F, s18  }
0x13: {  	s14 =	sadd.s32 s2, s14;
	s18 =	smul.u32 $0x30, s18;
	s15 =	ssub.s32 s15, s19  }
0x14: {  	[tilespmem:s17+$0x810 ss:$0x81] =	vst.msk $0xffff, v2;
	s13 =	sadd.s32 s13, s14;
	s31 =	sand.u32 $0x7, s15  }
0x15: {  	[tilespmem:s17+$0x1020 ss:$0x81] =	vst.msk $0xffff, v0;
	s13 =	sadd.s32 s18, s13;
	s15 =	sshrl.u32 s15, $0x3;
	s14 =	sshll.u32 s31, $0x12  }
0x16: {  	[tilespmem:s17+$0x0 ss:$0x81] =	vst.msk $0xffff, v1;
	s13 =	sadd.s32 s15, s13;
	s14 =	sor.u32 $0x400, s14  }
0x17: {  	[hbm4b:s13+s14] =	stream.strided.scatter [tilespmem:s16], [sflag:$0x2], $0x2000, s8, s14, $0x20;
	[tilespmem:$0x8080] =	vst v63  }
.LBB1_5:
0x18: {  	s16 =	sadd.s32 $0x2, s9  }
0x19: {  	s13 =	sadd.s32 $0x80, s10;
	s17 =	smov.u32 s10;
	p2 =	sgt.s32 s16, $0x3F  }
0x1a: {  	s17 =	smov.u32 @p2 s13  }
0x1b: {  	s19 =	smov.u32 s11;
	s13 =	sadd.s32 $0x10, s11;
	p3 =	sgt.s32 s17, $0x17F  }
0x1c: {  	s19 =	smov.u32 @p3 s13  }
0x1d: {  	s16 =	smov.u32 @p2 s1;
	p2 =	sgt.s32 s19, $0xF  }
0x1e: {  	p1 =	slt.u32 s12, $0x2;
	s19 =	smov.u32 @p2 s3;
	p2 =	sne.s32 s12, s7  }
.Ltmp1:
0x1f: {  	s18 =	simm.s32 @!p1 $0x2;
	(pc) =	sbr.rel @!p2 .LBB1_6-.Ltmp1, $4  }
0x20: {  	s15 =	smov.u32 s10;
	s14 =	smov.u32 s11;
	_ =	swait.ge @!p1 [sflag:s18], $0x2000  }
0x21: {  	p0 =	por !p0, !p0;
	[sflag:s18] =	ssyncset.done @!p1 $0x0;
	s17 =	simm.s32 @p3 $0x0  }
0x22: {  	s13 =	smov.u32 s9;
	[sflag:s18] =	ssyncadd.s32 @!p1 $0xFFFFE000;
	s9 =	smov.u32 s16  }
0x23: {  	s10 =	smov.u32 s17;
	s12 =	sadd.s32 $0x1, s12;
	s11 =	smov.u32 s19  }
.LBB1_1:
0x24: {  	p1 =	sge.u32 s12, s5  }
0x25: {  	s17 =	smul.u32 @!p1 $0x60000, s11  }
0x26: {  	s31 =	sadd.s32 $0xFFFFFFFF, s12;
	s16 =	sxor.u32 @!p1 $0xFFFFFFFF, s12;
	s18 =	sshll.u32 @!p1 s10, $0xA  }
0x27: {  	s19 =	sshll.u32 @!p1 s9, $0x4;
	s16 =	sshll.u32 @!p1 s16, $0xD;
	s17 =	sadd.s32 @!p1 s6, s17  }
0x28: {  	s19 =	sand.u32 @!p1 $0x3F0, s19;
	s16 =	sand.u32 @!p1 $0x2000, s16;
	s17 =	sadd.s32 @!p1 s18, s17  }
0x29: {  	s18 =	simm.s32 @!p1 $0x40;
	s17 =	sadd.s32 @!p1 s19, s17;
	s19 =	simm.s32 @!p1 $0x2000  }
0x2a: {  	[tilespmem:s16], [sflag:$0x1] =	stream.strided.gather @!p1 [hbm4b:s17+s18], $0x2000, s19, s18, $0x38;
	[tilespmem:$0x8080] =	vst v63  }
0x2b: {  	p1 =	sge.u32 s31, s5  }
.Ltmp2:
0x2c: {  	_ = 	snop;
	(pc) =	sbr.rel @p1 .LBB1_5-.Ltmp2, $1  }
0x2d: {  	_ =	sdelay $0x3  }
0x2e: {  	s16 =	simm.s32 $0x1  }
0x2f: {  	_ =	swait.ge [sflag:s4], $0x2000;
	s16 =	simm.s32 @!p0 $0x0  }
0x30: {  	[sflag:s4] =	ssyncset.done $0x0;
	s17 =	sshll.u32 s16, $0xD  }
0x31: {  	[sflag:s4] =	ssyncadd.s32 $0xFFFFE000;
	s20 =	sor.u32 $0x20, s17  }
0x32: {  	s16 =	smul.u32 $0x8100, s16;
	v3 =	vld [tilespmem:s20+$0x10]  }
0x33: {  	s30 =	sand.u32 $0x1, s12;
	v2 =	vld [tilespmem:s20+$0xFFFFFFF0]  }
0x34: {  	s17 =	smul.u32 $0x8100, s30;
	s16 =	sshrl.u32 s16, $0x2;
	v0 =	vld [tilespmem:s20+$0x0]  }
0x35: {  	v1 =	vld [tilespmem:s20+$0xFFFFFFE0];
	s18 =	sor.u32 $0x4000, s16  }
0x36: {  	s31 =	sshrl.u32 s17, $0x2;
	s17 =	sadd.s32 $0x0, s18  }
0x37: {  	s19 =	simm.s32 $0x4;
	s20 =	sadd.s32 $0x40, s20;
	s16 =	sor.u32 $0x4000, s31;
	[tilespmem:s17+$0x1830 ss:$0x81] =	vst.msk $0xffff, v3  }
.LBB1_3:
0x38: {  	v3 =	vld [tilespmem:s20+$0x10];
	p1 =	sne.s32 s19, $0x1FC;
	[tilespmem:s17+$0x810 ss:$0x81] =	vst.msk $0xffff, v2;
	s21 =	smov.u32 s19;
	s19 =	sadd.s32 $0x4, s19  }
.Ltmp3:
0x39: {  	v2 =	vld [tilespmem:s20+$0xFFFFFFF0];
	[tilespmem:s17+$0x1020 ss:$0x81] =	vst.msk $0xffff, v0;
	(pc) =	sbr.rel @p1 .LBB1_3-.Ltmp3, $4  }
0x3a: {  	v0 =	vld [tilespmem:s20+$0x0];
	[tilespmem:s17+$0x0 ss:$0x81] =	vst.msk $0xffff, v1  }
0x3b: {  	s17 =	sshra.s32 s21, $0x2;
	v1 =	vld [tilespmem:s20+$0xFFFFFFE0]  }
0x3c: {  	s17 =	sadd.s32 s17, s18  }
0x3d: {  	s20 =	sadd.s32 $0x40, s20;
	[tilespmem:s17+$0x1830 ss:$0x81] =	vst.msk $0xffff, v3  }
.Ltmp4:
0x3e: {  	_ = 	snop;
	(pc) =	sbr.rel .LBB1_4-.Ltmp4, $1  }
0x3f: {  	_ =	sdelay $0x3  }
.LBB1_6:
0x40: {  	_ =	sfence.sel $0x180000  }
0x41: {  	s1 =	simm.s32 $0x1;
	[bflag:$0x0] =	sbarrier.arrive $0xFFFF  }
0x42: {  	s31 =	simm.s32 $0x2;
	[sflag:s1] =	ssyncpa.u1 $0x1  }
0x43: {  	[sflag:s31] =	ssyncpa.u1 $0x1  }
0x44: {  	p0 =	sne.s32 s3, $0x0;
	_ =	strace $0x90000047  }
0x45: {  	s0 =	sadd.s32 @!p0 $0x100000, s0;
	[bflag:$0x2] =	sbarrier.arrive $0xFFFF  }
0x46: {  	[sflag:s0] =	ssyncadd.tile.s32 @!p0 $0x1;
	_ =	shalt  }
.Lfunc_end1:
_tile_overlayer_lowered:
.L_overlay_start_2:
0x47: {  	(tag) =	ssettag $0x2  }
0x48: {  	s0 =	rddreg [dreg:$0x0];
	s2 =	stileid.u32  }
0x49: {  	s1 =	rddreg [dreg:$0x1];
	p0 =	sne.s32 s2, $0x0  }
0x4a: {  	s3 =	rddreg [dreg:$0x2];
	[bflag:$0x3] =	sbarrier.arrive $0xFFFF;
	s2 =	simm.s32 @!p0 $0x1C01  }
0x4b: {  	[timem:s3], [sflag:s2] =	dma.local @!p0 [hbm:s0], s1  }
0x4c: {  	s0 =	simm.s32 @!p0 $0x1  }
0x4d: {  	_ =	swait.ge @!p0 [sflag:s0], s1  }
0x4e: {  	s1 =	ssub.s32 @!p0 $0x0, s1;
	[sflag:s0] =	ssyncset.done @!p0 $0x0  }
0x4f: {  	[sflag:s0] =	ssyncadd.s32 @!p0 s1  }
0x50: {  	[bflag:$0x3] =	sbarrier.arrive $0xFFFF  }
0x51: {  	_ =	shalt  }

</sc_bundles>
